<compile_context>
chip_gen: v7x
topology: tpu7x:2x2x1
jax: 0.10.2.dev20260603
libtpu: 0.0.44.dev20260713+nightly
codegen_flags: <defaults>
</compile_context>

<pallas_src>
import functools

import jax
import jax.numpy as jnp
from jax import lax
from jax.experimental import pallas as pl
from jax.experimental.pallas import tpu as pltpu
from jax.experimental.pallas import tpu_sc as plsc

HIDDEN = 2048
NUM_EXPERTS = 8
TOP_K = 2
BLOCK = 1024
LANES = 16


def _gate_block(x_ref, wt_ref, logits_ref):
    logits_ref[...] = jax.lax.dot_general(
        wt_ref[...], x_ref[...], (((1,), (1,)), ((), ())),
        preferred_element_type=jnp.float32)


def _gate_logits_t(x, wt, T):
    return pl.pallas_call(
        _gate_block,
        grid=(T // BLOCK,),
        in_specs=[
            pl.BlockSpec((BLOCK, HIDDEN), lambda i: (i, 0)),
            pl.BlockSpec((NUM_EXPERTS, HIDDEN), lambda i: (0, 0)),
        ],
        out_specs=pl.BlockSpec((NUM_EXPERTS, BLOCK), lambda i: (0, i)),
        out_shape=jax.ShapeDtypeStruct((NUM_EXPERTS, T), jnp.float32),
        compiler_params=pltpu.CompilerParams(
            dimension_semantics=("arbitrary",),
        ),
    )(x, wt)


def _make_sc_topk(T):
    info = plsc.get_sparse_core_info()
    NC, NS = info.num_cores, info.num_subcores
    NW = NC * NS
    chunk = T // NW

    mesh = plsc.VectorSubcoreMesh(core_axis_name="c", subcore_axis_name="s")

    @functools.partial(
        pl.kernel, mesh=mesh,
        out_type=[
            jax.ShapeDtypeStruct((TOP_K, T), jnp.float32),
            jax.ShapeDtypeStruct((TOP_K, T), jnp.int32),
        ],
        scratch_types=[
            pltpu.VMEM((NUM_EXPERTS, chunk), jnp.float32),
            pltpu.VMEM((TOP_K, chunk), jnp.float32),
            pltpu.VMEM((TOP_K, chunk), jnp.int32),
        ],
    )
    def sc_topk(logits_hbm, rw_hbm, idx_hbm, l_v, rw_v, idx_v):
        wid = lax.axis_index("s") * NC + lax.axis_index("c")
        base = wid * chunk
        pltpu.sync_copy(logits_hbm.at[:, pl.ds(base, chunk)], l_v)

        def body(i, _):
            off = i * LANES
            m1 = l_v[0, pl.ds(off, LANES)]
            i1 = jnp.zeros((LANES,), jnp.int32)
            m2 = jnp.full((LANES,), -jnp.inf, jnp.float32)
            i2 = jnp.full((LANES,), NUM_EXPERTS, jnp.int32)
            for e in range(1, NUM_EXPERTS):
                le = l_v[e, pl.ds(off, LANES)]
                gt1 = le > m1
                gt2 = le > m2
                m2 = jnp.where(gt1, m1, jnp.where(gt2, le, m2))
                i2 = jnp.where(gt1, i1, jnp.where(gt2, e, i2))
                m1 = jnp.where(gt1, le, m1)
                i1 = jnp.where(gt1, e, i1)
            e2 = jnp.exp(m2 - m1)
            denom = 1.0 + e2
            rw_v[0, pl.ds(off, LANES)] = 1.0 / denom
            rw_v[1, pl.ds(off, LANES)] = e2 / denom
            idx_v[0, pl.ds(off, LANES)] = i1
            idx_v[1, pl.ds(off, LANES)] = i2
            return 0

        lax.fori_loop(0, chunk // LANES, body, 0)
        pltpu.sync_copy(rw_v, rw_hbm.at[:, pl.ds(base, chunk)])
        pltpu.sync_copy(idx_v, idx_hbm.at[:, pl.ds(base, chunk)])

    return sc_topk


def kernel(hidden_states, W_gate):
    B, S, H = hidden_states.shape
    T = B * S
    x = hidden_states.reshape(T, H)
    wt = W_gate.T

    logits_t = _gate_logits_t(x, wt, T)
    rw_t, idx_t = _make_sc_topk(T)(logits_t)

    return (rw_t.T.reshape(B, S, TOP_K),
            idx_t.T.reshape(B, S, TOP_K),
            logits_t.T.reshape(B, S, NUM_EXPERTS))

# --- scband reference (transcript-rebuilt; emitter-appended) ---
"""Pipeline reference for scband-router-27462020891218 (READ-ONLY COPY).

The authoritative reference and input builder live on the scoring server;
editing this copy changes nothing except your own understanding.
"""

import jax, jax.numpy as jnp
import numpy as np

HIDDEN = 2048
NUM_EXPERTS = 8
TOP_K = 2

def setup_inputs(seed: int = 0) -> dict:
    key = jax.random.key(seed)
    k1, k2 = jax.random.split(key)
    hidden_states = jax.random.normal(k1, (4, 8192, HIDDEN), dtype=jnp.float32)
    # nn.Linear(hidden_size, num_experts, bias=False): weight [num_experts, hidden]
    # store transposed for jnp.dot convenience: [hidden, num_experts]
    W_gate = jax.random.normal(k2, (HIDDEN, NUM_EXPERTS), dtype=jnp.float32) * (1.0 / np.sqrt(HIDDEN))
    return {"hidden_states": hidden_states, "W_gate": W_gate}

def reference(hidden_states, W_gate):
    # router_logits = self.gate(hidden_states)
    router_logits = jnp.dot(hidden_states, W_gate)  # (B, S, E)
    # topk_weights, topk_indices = torch.topk(router_logits, top_k, dim=-1)
    topk_weights, topk_indices = jax.lax.top_k(router_logits, TOP_K)  # (B, S, top_k)
    # routing_weights = F.softmax(topk_weights, dim=-1)
    routing_weights = jax.nn.softmax(topk_weights, axis=-1)
    return (routing_weights, topk_indices, router_logits)

if __name__ == "__main__":
    import jax
    _d = setup_inputs()
    print(jax.jit(kernel)(*tuple(_d.values())))

</pallas_src>

<mosaic_0001>
#map = affine_map<(d0, d1) -> (0, 0)>
module attributes {stable_mosaic.version = 14 : i64} {
  func.func @sc_topk(%arg0: i32, %arg1: i32, %arg2: memref<8x32768xf32, #tpu.memory_space<hbm>>, %arg3: memref<2x32768xf32, #tpu.memory_space<hbm>>, %arg4: memref<2x32768xi32, #tpu.memory_space<hbm>>, %arg5: memref<8x1024xf32, #tpu.memory_space<vmem>>, %arg6: memref<2x1024xf32, #tpu.memory_space<vmem>>, %arg7: memref<2x1024xi32, #tpu.memory_space<vmem>>) attributes {dimension_semantics = [#tpu.dimension_semantics<core_parallel>, #tpu.dimension_semantics<subcore_parallel>], iteration_bounds = array<i64: 2, 16>, scalar_prefetch = 0 : i64, scratch_operands = 3 : i64, tpu.core_type = #tpu.core_type<sc_vector_subcore>, window_params = [{transform_indices = #map}, {transform_indices = #map}, {transform_indices = #map}]} {
    %mul3A = arith.constant 2 : i32
    %mul3A_0 = arith.muli %arg1, %mul3A : i32
    %add3A = arith.addi %mul3A_0, %arg0 : i32
    %mul3A_1 = arith.constant 1024 : i32
    %mul3A_2 = arith.muli %add3A, %mul3A_1 : i32
    "tpu.region"() ({
      %run_scoped3A = tpu.sem_alloc : memref<!tpu.dma_semaphore, #tpu.memory_space<semaphore_mem>>
      %dma_start3A = arith.constant 0 : i32
      %dma_start3A_9 = tpu.memref_slice %arg2[%dma_start3A, %mul3A_2] : memref<8x32768xf32, #tpu.memory_space<hbm>> -> memref<8x1024xf32, #tpu.memory_space<hbm>>
      %dma_start3A_10 = arith.constant 0 : i32
      %dma_start3A_11 = tpu.memref_slice %arg2[%dma_start3A_10, %mul3A_2] : memref<8x32768xf32, #tpu.memory_space<hbm>> -> memref<8x1024xf32, #tpu.memory_space<hbm>>
      tpu.enqueue_dma source(%dma_start3A_11 : memref<8x1024xf32, #tpu.memory_space<hbm>>) target(%arg5 : memref<8x1024xf32, #tpu.memory_space<vmem>>) target_semaphore(%run_scoped3A : memref<!tpu.dma_semaphore, #tpu.memory_space<semaphore_mem>>)
      %dma_wait3A = arith.constant 0 : i32
      %dma_wait3A_12 = tpu.memref_slice %arg2[%dma_wait3A, %mul3A_2] : memref<8x32768xf32, #tpu.memory_space<hbm>> -> memref<8x1024xf32, #tpu.memory_space<hbm>>
      %dma_wait3A_13 = arith.constant 0 : i32
      %dma_wait3A_14 = tpu.memref_slice %arg2[%dma_wait3A_13, %mul3A_2] : memref<8x32768xf32, #tpu.memory_space<hbm>> -> memref<8x1024xf32, #tpu.memory_space<hbm>>
      tpu.wait_dma2 semaphore(%run_scoped3A : memref<!tpu.dma_semaphore, #tpu.memory_space<semaphore_mem>>) src(%dma_wait3A_14 : memref<8x1024xf32, #tpu.memory_space<hbm>>) dst(%arg5 : memref<8x1024xf32, #tpu.memory_space<vmem>>)
      tpu.yield
    }) : () -> ()
    %scan3A = arith.constant 0 : i32
    %scan3A_3 = arith.constant 0 : i32
    %scan3A_4 = arith.constant 64 : i32
    %scan3A_5 = arith.addi %scan3A_3, %scan3A_4 : i32
    %scan3A_6 = arith.constant 1 : i32
    %scan3A_7 = scf.for %scan3A_9 = %scan3A_3 to %scan3A_5 step %scan3A_6 iter_args(%scan3A_10 = %scan3A) -> (i32)  : i32 {
      %mul3A_11 = arith.constant 16 : i32
      %mul3A_12 = arith.muli %scan3A_9, %mul3A_11 : i32
      %get3A = arith.constant 0 : i32
      %get3A_13 = arith.index_cast %get3A : i32 to index
      %get3A_14 = arith.index_cast %mul3A_12 : i32 to index
      %get3A_15 = tpu.vector_load %arg5[%get3A_13, %get3A_14] {strides = array<i32>} : memref<8x1024xf32, #tpu.memory_space<vmem>>, vector<1x16xf32>,
      %get3A_16 = vector.shape_cast %get3A_15 : vector<1x16xf32> to vector<16xf32>
      %broadcast_in_dim3A = arith.constant 0 : i32
      %broadcast_in_dim3A_17 = vector.broadcast %broadcast_in_dim3A : i32 to vector<16xi32>
      %broadcast_in_dim3A_18 = arith.constant 0xFF800000 : f32
      %broadcast_in_dim3A_19 = vector.broadcast %broadcast_in_dim3A_18 : f32 to vector<16xf32>
      %broadcast_in_dim3A_20 = arith.constant 8 : i32
      %broadcast_in_dim3A_21 = vector.broadcast %broadcast_in_dim3A_20 : i32 to vector<16xi32>
      %get3A_22 = arith.constant 1 : i32
      %get3A_23 = arith.index_cast %get3A_22 : i32 to index
      %get3A_24 = arith.index_cast %mul3A_12 : i32 to index
      %get3A_25 = tpu.vector_load %arg5[%get3A_23, %get3A_24] {strides = array<i32>} : memref<8x1024xf32, #tpu.memory_space<vmem>>, vector<1x16xf32>,
      %get3A_26 = vector.shape_cast %get3A_25 : vector<1x16xf32> to vector<16xf32>
      %gt3A = arith.cmpf ogt, %get3A_26, %get3A_16 : vector<16xf32>
      %gt3A_27 = arith.cmpf ogt, %get3A_26, %broadcast_in_dim3A_19 : vector<16xf32>
      %select_n3A = arith.select %gt3A_27, %get3A_26, %broadcast_in_dim3A_19 : vector<16xi1>, vector<16xf32>
      %select_n3A_28 = arith.select %gt3A, %get3A_16, %select_n3A : vector<16xi1>, vector<16xf32>
      %jit3A = arith.constant 1 : i32
      %broadcast_in_dim3A_29 = vector.broadcast %jit3A : i32 to vector<16xi32>
      %select_n3A_30 = arith.select %gt3A_27, %broadcast_in_dim3A_29, %broadcast_in_dim3A_21 : vector<16xi1>, vector<16xi32>
      %select_n3A_31 = arith.select %gt3A, %broadcast_in_dim3A_17, %select_n3A_30 : vector<16xi1>, vector<16xi32>
      %select_n3A_32 = arith.select %gt3A, %get3A_26, %get3A_16 : vector<16xi1>, vector<16xf32>
      %jit3A_33 = arith.constant 1 : i32
      %broadcast_in_dim3A_34 = vector.broadcast %jit3A_33 : i32 to vector<16xi32>
      %select_n3A_35 = arith.select %gt3A, %broadcast_in_dim3A_34, %broadcast_in_dim3A_17 : vector<16xi1>, vector<16xi32>
      %get3A_36 = arith.constant 2 : i32
      %get3A_37 = arith.index_cast %get3A_36 : i32 to index
      %get3A_38 = arith.index_cast %mul3A_12 : i32 to index
      %get3A_39 = tpu.vector_load %arg5[%get3A_37, %get3A_38] {strides = array<i32>} : memref<8x1024xf32, #tpu.memory_space<vmem>>, vector<1x16xf32>,
      %get3A_40 = vector.shape_cast %get3A_39 : vector<1x16xf32> to vector<16xf32>
      %gt3A_41 = arith.cmpf ogt, %get3A_40, %select_n3A_32 : vector<16xf32>
      %gt3A_42 = arith.cmpf ogt, %get3A_40, %select_n3A_28 : vector<16xf32>
      %select_n3A_43 = arith.select %gt3A_42, %get3A_40, %select_n3A_28 : vector<16xi1>, vector<16xf32>
      %select_n3A_44 = arith.select %gt3A_41, %select_n3A_32, %select_n3A_43 : vector<16xi1>, vector<16xf32>
      %jit3A_45 = arith.constant 2 : i32
      %broadcast_in_dim3A_46 = vector.broadcast %jit3A_45 : i32 to vector<16xi32>
      %select_n3A_47 = arith.select %gt3A_42, %broadcast_in_dim3A_46, %select_n3A_31 : vector<16xi1>, vector<16xi32>
      %select_n3A_48 = arith.select %gt3A_41, %select_n3A_35, %select_n3A_47 : vector<16xi1>, vector<16xi32>
      %select_n3A_49 = arith.select %gt3A_41, %get3A_40, %select_n3A_32 : vector<16xi1>, vector<16xf32>
      %jit3A_50 = arith.constant 2 : i32
      %broadcast_in_dim3A_51 = vector.broadcast %jit3A_50 : i32 to vector<16xi32>
      %select_n3A_52 = arith.select %gt3A_41, %broadcast_in_dim3A_51, %select_n3A_35 : vector<16xi1>, vector<16xi32>
      %get3A_53 = arith.constant 3 : i32
      %get3A_54 = arith.index_cast %get3A_53 : i32 to index
      %get3A_55 = arith.index_cast %mul3A_12 : i32 to index
      %get3A_56 = tpu.vector_load %arg5[%get3A_54, %get3A_55] {strides = array<i32>} : memref<8x1024xf32, #tpu.memory_space<vmem>>, vector<1x16xf32>,
      %get3A_57 = vector.shape_cast %get3A_56 : vector<1x16xf32> to vector<16xf32>
      %gt3A_58 = arith.cmpf ogt, %get3A_57, %select_n3A_49 : vector<16xf32>
      %gt3A_59 = arith.cmpf ogt, %get3A_57, %select_n3A_44 : vector<16xf32>
      %select_n3A_60 = arith.select %gt3A_59, %get3A_57, %select_n3A_44 : vector<16xi1>, vector<16xf32>
      %select_n3A_61 = arith.select %gt3A_58, %select_n3A_49, %select_n3A_60 : vector<16xi1>, vector<16xf32>
      %jit3A_62 = arith.constant 3 : i32
      %broadcast_in_dim3A_63 = vector.broadcast %jit3A_62 : i32 to vector<16xi32>
      %select_n3A_64 = arith.select %gt3A_59, %broadcast_in_dim3A_63, %select_n3A_48 : vector<16xi1>, vector<16xi32>
      %select_n3A_65 = arith.select %gt3A_58, %select_n3A_52, %select_n3A_64 : vector<16xi1>, vector<16xi32>
      %select_n3A_66 = arith.select %gt3A_58, %get3A_57, %select_n3A_49 : vector<16xi1>, vector<16xf32>
      %jit3A_67 = arith.constant 3 : i32
      %broadcast_in_dim3A_68 = vector.broadcast %jit3A_67 : i32 to vector<16xi32>
      %select_n3A_69 = arith.select %gt3A_58, %broadcast_in_dim3A_68, %select_n3A_52 : vector<16xi1>, vector<16xi32>
      %get3A_70 = arith.constant 4 : i32
      %get3A_71 = arith.index_cast %get3A_70 : i32 to index
      %get3A_72 = arith.index_cast %mul3A_12 : i32 to index
      %get3A_73 = tpu.vector_load %arg5[%get3A_71, %get3A_72] {strides = array<i32>} : memref<8x1024xf32, #tpu.memory_space<vmem>>, vector<1x16xf32>,
      %get3A_74 = vector.shape_cast %get3A_73 : vector<1x16xf32> to vector<16xf32>
      %gt3A_75 = arith.cmpf ogt, %get3A_74, %select_n3A_66 : vector<16xf32>
      %gt3A_76 = arith.cmpf ogt, %get3A_74, %select_n3A_61 : vector<16xf32>
      %select_n3A_77 = arith.select %gt3A_76, %get3A_74, %select_n3A_61 : vector<16xi1>, vector<16xf32>
      %select_n3A_78 = arith.select %gt3A_75, %select_n3A_66, %select_n3A_77 : vector<16xi1>, vector<16xf32>
      %jit3A_79 = arith.constant 4 : i32
      %broadcast_in_dim3A_80 = vector.broadcast %jit3A_79 : i32 to vector<16xi32>
      %select_n3A_81 = arith.select %gt3A_76, %broadcast_in_dim3A_80, %select_n3A_65 : vector<16xi1>, vector<16xi32>
      %select_n3A_82 = arith.select %gt3A_75, %select_n3A_69, %select_n3A_81 : vector<16xi1>, vector<16xi32>
      %select_n3A_83 = arith.select %gt3A_75, %get3A_74, %select_n3A_66 : vector<16xi1>, vector<16xf32>
      %jit3A_84 = arith.constant 4 : i32
      %broadcast_in_dim3A_85 = vector.broadcast %jit3A_84 : i32 to vector<16xi32>
      %select_n3A_86 = arith.select %gt3A_75, %broadcast_in_dim3A_85, %select_n3A_69 : vector<16xi1>, vector<16xi32>
      %get3A_87 = arith.constant 5 : i32
      %get3A_88 = arith.index_cast %get3A_87 : i32 to index
      %get3A_89 = arith.index_cast %mul3A_12 : i32 to index
      %get3A_90 = tpu.vector_load %arg5[%get3A_88, %get3A_89] {strides = array<i32>} : memref<8x1024xf32, #tpu.memory_space<vmem>>, vector<1x16xf32>,
      %get3A_91 = vector.shape_cast %get3A_90 : vector<1x16xf32> to vector<16xf32>
      %gt3A_92 = arith.cmpf ogt, %get3A_91, %select_n3A_83 : vector<16xf32>
      %gt3A_93 = arith.cmpf ogt, %get3A_91, %select_n3A_78 : vector<16xf32>
      %select_n3A_94 = arith.select %gt3A_93, %get3A_91, %select_n3A_78 : vector<16xi1>, vector<16xf32>
      %select_n3A_95 = arith.select %gt3A_92, %select_n3A_83, %select_n3A_94 : vector<16xi1>, vector<16xf32>
      %jit3A_96 = arith.constant 5 : i32
      %broadcast_in_dim3A_97 = vector.broadcast %jit3A_96 : i32 to vector<16xi32>
      %select_n3A_98 = arith.select %gt3A_93, %broadcast_in_dim3A_97, %select_n3A_82 : vector<16xi1>, vector<16xi32>
      %select_n3A_99 = arith.select %gt3A_92, %select_n3A_86, %select_n3A_98 : vector<16xi1>, vector<16xi32>
      %select_n3A_100 = arith.select %gt3A_92, %get3A_91, %select_n3A_83 : vector<16xi1>, vector<16xf32>
      %jit3A_101 = arith.constant 5 : i32
      %broadcast_in_dim3A_102 = vector.broadcast %jit3A_101 : i32 to vector<16xi32>
      %select_n3A_103 = arith.select %gt3A_92, %broadcast_in_dim3A_102, %select_n3A_86 : vector<16xi1>, vector<16xi32>
      %get3A_104 = arith.constant 6 : i32
      %get3A_105 = arith.index_cast %get3A_104 : i32 to index
      %get3A_106 = arith.index_cast %mul3A_12 : i32 to index
      %get3A_107 = tpu.vector_load %arg5[%get3A_105, %get3A_106] {strides = array<i32>} : memref<8x1024xf32, #tpu.memory_space<vmem>>, vector<1x16xf32>,
      %get3A_108 = vector.shape_cast %get3A_107 : vector<1x16xf32> to vector<16xf32>
      %gt3A_109 = arith.cmpf ogt, %get3A_108, %select_n3A_100 : vector<16xf32>
      %gt3A_110 = arith.cmpf ogt, %get3A_108, %select_n3A_95 : vector<16xf32>
      %select_n3A_111 = arith.select %gt3A_110, %get3A_108, %select_n3A_95 : vector<16xi1>, vector<16xf32>
      %select_n3A_112 = arith.select %gt3A_109, %select_n3A_100, %select_n3A_111 : vector<16xi1>, vector<16xf32>
      %jit3A_113 = arith.constant 6 : i32
      %broadcast_in_dim3A_114 = vector.broadcast %jit3A_113 : i32 to vector<16xi32>
      %select_n3A_115 = arith.select %gt3A_110, %broadcast_in_dim3A_114, %select_n3A_99 : vector<16xi1>, vector<16xi32>
      %select_n3A_116 = arith.select %gt3A_109, %select_n3A_103, %select_n3A_115 : vector<16xi1>, vector<16xi32>
      %select_n3A_117 = arith.select %gt3A_109, %get3A_108, %select_n3A_100 : vector<16xi1>, vector<16xf32>
      %jit3A_118 = arith.constant 6 : i32
      %broadcast_in_dim3A_119 = vector.broadcast %jit3A_118 : i32 to vector<16xi32>
      %select_n3A_120 = arith.select %gt3A_109, %broadcast_in_dim3A_119, %select_n3A_103 : vector<16xi1>, vector<16xi32>
      %get3A_121 = arith.constant 7 : i32
      %get3A_122 = arith.index_cast %get3A_121 : i32 to index
      %get3A_123 = arith.index_cast %mul3A_12 : i32 to index
      %get3A_124 = tpu.vector_load %arg5[%get3A_122, %get3A_123] {strides = array<i32>} : memref<8x1024xf32, #tpu.memory_space<vmem>>, vector<1x16xf32>,
      %get3A_125 = vector.shape_cast %get3A_124 : vector<1x16xf32> to vector<16xf32>
      %gt3A_126 = arith.cmpf ogt, %get3A_125, %select_n3A_117 : vector<16xf32>
      %gt3A_127 = arith.cmpf ogt, %get3A_125, %select_n3A_112 : vector<16xf32>
      %select_n3A_128 = arith.select %gt3A_127, %get3A_125, %select_n3A_112 : vector<16xi1>, vector<16xf32>
      %select_n3A_129 = arith.select %gt3A_126, %select_n3A_117, %select_n3A_128 : vector<16xi1>, vector<16xf32>
      %jit3A_130 = arith.constant 7 : i32
      %broadcast_in_dim3A_131 = vector.broadcast %jit3A_130 : i32 to vector<16xi32>
      %select_n3A_132 = arith.select %gt3A_127, %broadcast_in_dim3A_131, %select_n3A_116 : vector<16xi1>, vector<16xi32>
      %select_n3A_133 = arith.select %gt3A_126, %select_n3A_120, %select_n3A_132 : vector<16xi1>, vector<16xi32>
      %select_n3A_134 = arith.select %gt3A_126, %get3A_125, %select_n3A_117 : vector<16xi1>, vector<16xf32>
      %jit3A_135 = arith.constant 7 : i32
      %broadcast_in_dim3A_136 = vector.broadcast %jit3A_135 : i32 to vector<16xi32>
      %select_n3A_137 = arith.select %gt3A_126, %broadcast_in_dim3A_136, %select_n3A_120 : vector<16xi1>, vector<16xi32>
      %sub3A = arith.subf %select_n3A_129, %select_n3A_134 : vector<16xf32>
      %exp3A = math.exp %sub3A : vector<16xf32>
      %add3A_138 = arith.constant 1.000000e+00 : f32
      %add3A_139 = vector.broadcast %add3A_138 : f32 to vector<16xf32>
      %add3A_140 = arith.addf %add3A_139, %exp3A : vector<16xf32>
      %div3A = arith.constant 1.000000e+00 : f32
      %div3A_141 = vector.broadcast %div3A : f32 to vector<16xf32>
      %div3A_142 = arith.divf %div3A_141, %add3A_140 : vector<16xf32>
      %swap3A = arith.constant 0 : i32
      %swap3A_143 = arith.index_cast %swap3A : i32 to index
      %swap3A_144 = arith.index_cast %mul3A_12 : i32 to index
      %swap3A_145 = tpu.vector_load %arg6[%swap3A_143, %swap3A_144] {strides = array<i32>} : memref<2x1024xf32, #tpu.memory_space<vmem>>, vector<1x16xf32>,
      %swap3A_146 = vector.shape_cast %swap3A_145 : vector<1x16xf32> to vector<16xf32>
      %swap3A_147 = vector.shape_cast %div3A_142 : vector<16xf32> to vector<1x16xf32>
      tpu.vector_store %arg6[%swap3A_143, %swap3A_144], %swap3A_147 {strides = array<i32>} : memref<2x1024xf32, #tpu.memory_space<vmem>>, vector<1x16xf32>,
      %div3A_148 = arith.divf %exp3A, %add3A_140 : vector<16xf32>
      %swap3A_149 = arith.constant 1 : i32
      %swap3A_150 = arith.index_cast %swap3A_149 : i32 to index
      %swap3A_151 = arith.index_cast %mul3A_12 : i32 to index
      %swap3A_152 = tpu.vector_load %arg6[%swap3A_150, %swap3A_151] {strides = array<i32>} : memref<2x1024xf32, #tpu.memory_space<vmem>>, vector<1x16xf32>,
      %swap3A_153 = vector.shape_cast %swap3A_152 : vector<1x16xf32> to vector<16xf32>
      %swap3A_154 = vector.shape_cast %div3A_148 : vector<16xf32> to vector<1x16xf32>
      tpu.vector_store %arg6[%swap3A_150, %swap3A_151], %swap3A_154 {strides = array<i32>} : memref<2x1024xf32, #tpu.memory_space<vmem>>, vector<1x16xf32>,
      %swap3A_155 = arith.constant 0 : i32
      %swap3A_156 = arith.index_cast %swap3A_155 : i32 to index
      %swap3A_157 = arith.index_cast %mul3A_12 : i32 to index
      %swap3A_158 = tpu.vector_load %arg7[%swap3A_156, %swap3A_157] {strides = array<i32>} : memref<2x1024xi32, #tpu.memory_space<vmem>>, vector<1x16xi32>,
      %swap3A_159 = vector.shape_cast %swap3A_158 : vector<1x16xi32> to vector<16xi32>
      %swap3A_160 = vector.shape_cast %select_n3A_137 : vector<16xi32> to vector<1x16xi32>
      tpu.vector_store %arg7[%swap3A_156, %swap3A_157], %swap3A_160 {strides = array<i32>} : memref<2x1024xi32, #tpu.memory_space<vmem>>, vector<1x16xi32>,
      %swap3A_161 = arith.constant 1 : i32
      %swap3A_162 = arith.index_cast %swap3A_161 : i32 to index
      %swap3A_163 = arith.index_cast %mul3A_12 : i32 to index
      %swap3A_164 = tpu.vector_load %arg7[%swap3A_162, %swap3A_163] {strides = array<i32>} : memref<2x1024xi32, #tpu.memory_space<vmem>>, vector<1x16xi32>,
      %swap3A_165 = vector.shape_cast %swap3A_164 : vector<1x16xi32> to vector<16xi32>
      %swap3A_166 = vector.shape_cast %select_n3A_133 : vector<16xi32> to vector<1x16xi32>
      tpu.vector_store %arg7[%swap3A_162, %swap3A_163], %swap3A_166 {strides = array<i32>} : memref<2x1024xi32, #tpu.memory_space<vmem>>, vector<1x16xi32>,
      %scan3A_167 = arith.constant 0 : i32
      scf.yield %scan3A_167 : i32
    }
    %scan3A_8 = arith.constant 64 : i32
    "tpu.region"() ({
      %run_scoped3A = tpu.sem_alloc : memref<!tpu.dma_semaphore, #tpu.memory_space<semaphore_mem>>
      %dma_start3A = arith.constant 0 : i32
      %dma_start3A_9 = tpu.memref_slice %arg3[%dma_start3A, %mul3A_2] : memref<2x32768xf32, #tpu.memory_space<hbm>> -> memref<2x1024xf32, #tpu.memory_space<hbm>>
      %dma_start3A_10 = arith.constant 0 : i32
      %dma_start3A_11 = tpu.memref_slice %arg3[%dma_start3A_10, %mul3A_2] : memref<2x32768xf32, #tpu.memory_space<hbm>> -> memref<2x1024xf32, #tpu.memory_space<hbm>>
      tpu.enqueue_dma source(%arg6 : memref<2x1024xf32, #tpu.memory_space<vmem>>) target(%dma_start3A_11 : memref<2x1024xf32, #tpu.memory_space<hbm>>) target_semaphore(%run_scoped3A : memref<!tpu.dma_semaphore, #tpu.memory_space<semaphore_mem>>)
      %dma_wait3A = arith.constant 0 : i32
      %dma_wait3A_12 = tpu.memref_slice %arg3[%dma_wait3A, %mul3A_2] : memref<2x32768xf32, #tpu.memory_space<hbm>> -> memref<2x1024xf32, #tpu.memory_space<hbm>>
      %dma_wait3A_13 = arith.constant 0 : i32
      %dma_wait3A_14 = tpu.memref_slice %arg3[%dma_wait3A_13, %mul3A_2] : memref<2x32768xf32, #tpu.memory_space<hbm>> -> memref<2x1024xf32, #tpu.memory_space<hbm>>
      tpu.wait_dma2 semaphore(%run_scoped3A : memref<!tpu.dma_semaphore, #tpu.memory_space<semaphore_mem>>) src(%arg6 : memref<2x1024xf32, #tpu.memory_space<vmem>>) dst(%dma_wait3A_14 : memref<2x1024xf32, #tpu.memory_space<hbm>>)
      tpu.yield
    }) : () -> ()
    "tpu.region"() ({
      %run_scoped3A = tpu.sem_alloc : memref<!tpu.dma_semaphore, #tpu.memory_space<semaphore_mem>>
      %dma_start3A = arith.constant 0 : i32
      %dma_start3A_9 = tpu.memref_slice %arg4[%dma_start3A, %mul3A_2] : memref<2x32768xi32, #tpu.memory_space<hbm>> -> memref<2x1024xi32, #tpu.memory_space<hbm>>
      %dma_start3A_10 = arith.constant 0 : i32
      %dma_start3A_11 = tpu.memref_slice %arg4[%dma_start3A_10, %mul3A_2] : memref<2x32768xi32, #tpu.memory_space<hbm>> -> memref<2x1024xi32, #tpu.memory_space<hbm>>
      tpu.enqueue_dma source(%arg7 : memref<2x1024xi32, #tpu.memory_space<vmem>>) target(%dma_start3A_11 : memref<2x1024xi32, #tpu.memory_space<hbm>>) target_semaphore(%run_scoped3A : memref<!tpu.dma_semaphore, #tpu.memory_space<semaphore_mem>>)
      %dma_wait3A = arith.constant 0 : i32
      %dma_wait3A_12 = tpu.memref_slice %arg4[%dma_wait3A, %mul3A_2] : memref<2x32768xi32, #tpu.memory_space<hbm>> -> memref<2x1024xi32, #tpu.memory_space<hbm>>
      %dma_wait3A_13 = arith.constant 0 : i32
      %dma_wait3A_14 = tpu.memref_slice %arg4[%dma_wait3A_13, %mul3A_2] : memref<2x32768xi32, #tpu.memory_space<hbm>> -> memref<2x1024xi32, #tpu.memory_space<hbm>>
      tpu.wait_dma2 semaphore(%run_scoped3A : memref<!tpu.dma_semaphore, #tpu.memory_space<semaphore_mem>>) src(%arg7 : memref<2x1024xi32, #tpu.memory_space<vmem>>) dst(%dma_wait3A_14 : memref<2x1024xi32, #tpu.memory_space<hbm>>)
      tpu.yield
    }) : () -> ()
    return
  }
}

module attributes {stable_mosaic.version = 14 : i64} {
  func.func @_gate_block(%arg0: i32, %arg1: memref<1024x2048xf32, #tpu.memory_space<vmem>>, %arg2: memref<8x2048xf32, #tpu.memory_space<vmem>>, %arg3: memref<8x1024xf32, #tpu.memory_space<vmem>>) attributes {dimension_semantics = [#tpu.dimension_semantics<arbitrary>], iteration_bounds = array<i64: 32>, scalar_prefetch = 0 : i64, scratch_operands = 0 : i64, tpu.core_type = #tpu.core_type<tc>, window_params = [{transform_indices = @transform_0, window_bounds = array<i64: 1024, 2048>}, {pipeline_mode = #tpu.pipeline_mode<synchronous>, transform_indices = @transform_1, window_bounds = array<i64: 8, 2048>}, {transform_indices = @transform_2, window_bounds = array<i64: 8, 1024>}]} {
    %get3A = arith.constant 0 : index
    %get3A_0 = arith.constant 0 : index
    %get3A_1 = vector.load %arg2[%get3A, %get3A_0] : memref<8x2048xf32, #tpu.memory_space<vmem>>, vector<8x2048xf32>
    %get3A_2 = arith.constant 0 : index
    %get3A_3 = arith.constant 0 : index
    %get3A_4 = vector.load %arg1[%get3A_2, %get3A_3] : memref<1024x2048xf32, #tpu.memory_space<vmem>>, vector<1024x2048xf32>
    %dot_general3A = arith.constant dense<0.000000e+00> : vector<8x1024xf32>
    %dot_general3A_5 = tpu.matmul %get3A_1, %get3A_4, %dot_general3A {dimension_numbers = #tpu.dot_dimension_numbers<[1], [1], [0], [0], [0, 0, 1, 0], [], []>, transpose_lhs_hint = false} : vector<8x2048xf32>, vector<1024x2048xf32>, vector<8x1024xf32> -> vector<8x1024xf32>
    %swap3A = arith.constant 0 : index
    %swap3A_6 = arith.constant 0 : index
    %swap3A_7 = vector.load %arg3[%swap3A, %swap3A_6] : memref<8x1024xf32, #tpu.memory_space<vmem>>, vector<8x1024xf32>
    tpu.vector_store %arg3[%swap3A, %swap3A_6], %dot_general3A_5 {strides = array<i32>} : memref<8x1024xf32, #tpu.memory_space<vmem>>, vector<8x1024xf32>,
    return
  }
  func.func @transform_0(%arg0: i32) -> (i32, i32) {
    %c0_i32 = arith.constant 0 : i32
    %c0_i32_0 = arith.constant 0 : i32
    return %arg0, %c0_i32 : i32, i32
  }
  func.func @transform_1(%arg0: i32) -> (i32, i32) {
    %c0_i32 = arith.constant 0 : i32
    %c0_i32_0 = arith.constant 0 : i32
    %c0_i32_1 = arith.constant 0 : i32
    return %c0_i32, %c0_i32_0 : i32, i32
  }
  func.func @transform_2(%arg0: i32) -> (i32, i32) {
    %c0_i32 = arith.constant 0 : i32
    %c0_i32_0 = arith.constant 0 : i32
    return %c0_i32, %arg0 : i32, i32
  }
}

</mosaic_0001>

<sc_bundles>
// kernel: kernel.4.cloned.1.call-start
scs
__scs_entry_jumppad:
0x0: {  	(pc) =	sbr.rel $0x88, $3  }
0x1: {  	(tag) =	ssettag $0x0;
	lr =	simm.s32 $0x1  }
0x2: {  	[smem:$0x3F9F] =	sst lr;
	_ =	strace $0xD0000000  }
0x3: {  	_ = 	snop  }
0x4: {  	_ = 	snop  }
0x5: {  	_ = 	snop  }
0x6: {  	_ = 	snop  }
0x7: {  	_ = 	snop  }
__scs_overlays_trampoline_lowered:
0x8: {  	[smem:$0x3FAE] =	sst s0  }
0x9: {  	[smem:$0x3FAF] =	sst s1  }
0xa: {  	[smem:$0x3FB0] =	sst s2  }
0xb: {  	[smem:$0x3FB1] =	sst s3  }
0xc: {  	[smem:$0x3FB2] =	sst s4  }
0xd: {  	[smem:$0x3FB3] =	sst s5  }
0xe: {  	[smem:$0x3FB4] =	sst s6  }
0xf: {  	[smem:$0x3FB5] =	sst s7  }
0x10: {  	[smem:$0x3FB6] =	sst s8  }
0x11: {  	[smem:$0x3FB7] =	sst s9;
	s0 =	simm.s32 @!p0 $0x0  }
0x12: {  	s1 =	sld [smem:$0x3F9D];
	s0 =	simm.s32 @p0 $0x1  }
0x13: {  	[smem:$0x3FB8] =	sst s0;
	s0 =	simm.s32 @!p1 $0x0  }
0x14: {  	s2 =	sld [smem:$0x3F9C];
	s0 =	simm.s32 @p1 $0x1  }
0x15: {  	[smem:$0x3FB9] =	sst s0;
	s0 =	simm.s32 @!p2 $0x0  }
0x16: {  	s3 =	sld [smem:$0x3FDB];
	s0 =	simm.s32 @p2 $0x1  }
0x17: {  	s4 =	simm.s32 $0x1BF5;
	[smem:$0x3FBB] =	sst s0  }
0x18: {  	s0 =	sld [smem:$0x3F9E];
	_ =	swait.ge [sflag:s4], $0x0  }
0x19: {  	s7 =	sld [smem:$0x3F9F]  }
0x1a: {  	s8 =	sadd.s32 $0xFFFFE003, lr  }
0x1b: {  	s9 =	sadd.s32 $0xFFFFFEF7, lr;
	s5 =	simm.s32 $0xFFFFFFFF;
	p2 =	slt.u32 s8, $0xFFFFF086  }
0x1c: {  	p1 =	slt.u32 s9, $0xF7A;
	s5 =	simm.s32 @!p2 $0x0  }
0x1d: {  	s5 =	simm.s32 @p1 $0x1;
	p0 =	seq.s32 s7, s2  }
0x1e: {  	s7 =	smul.u32 @!p0 $0xF7A, s2;
	p2 =	seq.s32 @!p0 s5, $0x0  }
0x1f: {  	s9 =	smul.u32 $0xF7A, s1;
	s8 =	simm.s32 @!p0 $0x1BF5;
	p2 =	por !p2, p0  }
0x20: {  	[sflag:s8] =	ssyncset.s32 @!p0 $0xFFFFF086;
	s6 =	sadd.s32 @!p0 s3, s7;
	s7 =	simm.s32 @!p0 $0x108  }
0x21: {  	s3 =	sadd.s32 s3, s9;
	s6 =	sadd.s32 @!p0 $0x88, s6;
	s7 =	simm.s32 @p2 $0x1082  }
0x22: {  	[simem:s7], [sflag:s8] =	dma.local @!p0 [hbm:s6], $0xF7A  }
0x23: {  	s9 =	sor.u32 $0xD0000000, s2;
	s6 =	simm.s32 $0x108;
	_ =	swait.ge @!p0 [sflag:s8], $0x0  }
0x24: {  	s3 =	sadd.s32 $0x88, s3;
	s6 =	simm.s32 @!p1 $0x1082;
	[sflag:s4] =	ssyncset.s32 $0xFFFFF086  }
0x25: {  	[simem:s6], [sflag:s4] =	dma.local [hbm:s3], $0xF7A  }
0x26: {  	[smem:$0x3F9F] =	sst s1;
	(tag) =	ssettag s2;
	_ =	strace s9  }
0x27: {  	s1 =	sld [smem:$0x3FAF]  }
0x28: {  	s2 =	sld [smem:$0x3FB0]  }
0x29: {  	s4 =	sld [smem:$0x3FB2]  }
0x2a: {  	p0 =	seq.s32 s5, $0x0;
	s5 =	sld [smem:$0x3FB3]  }
0x2b: {  	s6 =	sld [smem:$0x3FB4]  }
0x2c: {  	s7 =	sld [smem:$0x3FB5]  }
0x2d: {  	s3 =	simm.s32 $0x108;
	s8 =	sld [smem:$0x3FB6]  }
0x2e: {  	s3 =	simm.s32 @!p0 $0x1082;
	s9 =	sld [smem:$0x3FB7]  }
0x2f: {  	lr =	sadd.s32 s0, s3;
	s0 =	sld [smem:$0x3FAE]  }
0x30: {  	s3 =	sld [smem:$0x3FB1]  }
0x31: {  	[smem:$0x3FBA] =	sst s10  }
0x32: {  	s10 =	sld [smem:$0x3FB8];
	_ =	sdelay $0x3  }
0x33: {  	p0 =	seq.s32 s10, $0x1;
	s10 =	sld [smem:$0x3FBA];
	_ =	sdelay $0x3  }
0x34: {  	[smem:$0x3FBA] =	sst s10  }
0x35: {  	s10 =	sld [smem:$0x3FB9];
	_ =	sdelay $0x3  }
0x36: {  	p1 =	seq.s32 s10, $0x1;
	s10 =	sld [smem:$0x3FBA];
	_ =	sdelay $0x3  }
0x37: {  	[smem:$0x3FBA] =	sst s10  }
0x38: {  	s10 =	sld [smem:$0x3FBB]  }
0x39: {  	_ = 	snop;
	(pc) =	sbr.ind lr, $3  }
0x3a: {  	_ = 	snop  }
0x3b: {  	_ = 	snop  }
0x3c: {  	p2 =	seq.s32 s10, $0x1;
	s10 =	sld [smem:$0x3FBA]  }
0x3d: {  	_ =	shalt  }
0x3e: {  	_ =	shalt  }
0x3f: {  	_ =	shalt  }
0x40: {  	_ =	shalt  }
0x41: {  	_ =	shalt  }
0x42: {  	_ =	shalt  }
0x43: {  	_ =	shalt  }
0x44: {  	_ =	shalt  }
0x45: {  	_ =	shalt  }
0x46: {  	_ =	shalt  }
0x47: {  	_ =	shalt  }
0x48: {  	_ =	shalt  }
0x49: {  	_ =	shalt  }
0x4a: {  	_ =	shalt  }
0x4b: {  	_ =	shalt  }
0x4c: {  	_ =	shalt  }
0x4d: {  	_ =	shalt  }
0x4e: {  	_ =	shalt  }
0x4f: {  	_ =	shalt  }
0x50: {  	_ =	shalt  }
0x51: {  	_ =	shalt  }
0x52: {  	_ =	shalt  }
0x53: {  	_ =	shalt  }
0x54: {  	_ =	shalt  }
0x55: {  	_ =	shalt  }
0x56: {  	_ =	shalt  }
0x57: {  	_ =	shalt  }
0x58: {  	_ =	shalt  }
0x59: {  	_ =	shalt  }
0x5a: {  	_ =	shalt  }
0x5b: {  	_ =	shalt  }
0x5c: {  	_ =	shalt  }
0x5d: {  	_ =	shalt  }
0x5e: {  	_ =	shalt  }
0x5f: {  	_ =	shalt  }
0x60: {  	_ =	shalt  }
0x61: {  	_ =	shalt  }
0x62: {  	_ =	shalt  }
0x63: {  	_ =	shalt  }
0x64: {  	_ =	shalt  }
0x65: {  	_ =	shalt  }
0x66: {  	_ =	shalt  }
0x67: {  	_ =	shalt  }
0x68: {  	_ =	shalt  }
0x69: {  	_ =	shalt  }
0x6a: {  	_ =	shalt  }
0x6b: {  	_ =	shalt  }
0x6c: {  	_ =	shalt  }
0x6d: {  	_ =	shalt  }
0x6e: {  	_ =	shalt  }
0x6f: {  	_ =	shalt  }
0x70: {  	_ =	shalt  }
0x71: {  	_ =	shalt  }
0x72: {  	_ =	shalt  }
0x73: {  	_ =	shalt  }
0x74: {  	_ =	shalt  }
0x75: {  	_ =	shalt  }
0x76: {  	_ =	shalt  }
0x77: {  	_ =	shalt  }
0x78: {  	_ =	shalt  }
0x79: {  	_ =	shalt  }
0x7a: {  	_ =	shalt  }
0x7b: {  	_ =	shalt  }
0x7c: {  	_ =	shalt  }
0x7d: {  	_ =	shalt  }
0x7e: {  	_ =	shalt  }
0x7f: {  	_ =	shalt  }
0x80: {  	_ =	shalt  }
0x81: {  	_ =	shalt  }
0x82: {  	_ =	shalt  }
0x83: {  	_ =	shalt  }
0x84: {  	_ =	shalt  }
0x85: {  	_ =	shalt  }
0x86: {  	_ =	shalt  }
0x87: {  	_ =	shalt  }
.Lfunc_end0:
.L_simem_size_0:
called_computation_lowered:
.L_overlay_start_0:
0x88: {  	s2 =	sld [smem:$0x3FD9]  }
0x89: {  	s3 =	sld [smem:$0x3FFE];
	_ =	sdelay $0x1  }
0x8a: {  	s1 =	srdreg.scid  }
0x8b: {  	s0 =	sand.u32 $0x1, s1  }
0x8c: {  	s15 =	sshll.u32 s0, $0xA;
	s2 =	sadd.s32 s3, s2  }
0x8d: {  	s2 =	sadd.s32 s2, s15  }
0x8e: {  	[smem:$0x3FC6] =	sst s2  }
0x8f: {  	_ = 	snop  }
0x90: {  	s2 =	sld [smem:$0x3FD0];
	_ =	sdelay $0x2  }
0x91: {  	s16 =	simm.s32 $0xA;
	s4 =	simm.s32 $0x10  }
0x92: {  	[smem:s4], [sflag:s16] =	dma.local [hbm:s2], $0x1  }
0x93: {  	_ =	swait.eq [sflag:s16], $0x1  }
0x94: {  	s17 =	sld [smem:$0x10];
	[sflag:s16] =	ssyncset.done $0x0  }
0x95: {  	s18 =	sld [smem:$0x11];
	[sflag:s16] =	ssyncadd.s32 $0xFFFFFFFF  }
0x96: {  	s19 =	sld [smem:$0x12];
	(tm) =	ssettm $0x1  }
0x97: {  	s5 =	sld [smem:$0x3FFB];
	_ =	sdelay $0x3  }
0x98: {  	_ =	strace s5  }
0x99: {  	s5 =	sld [smem:$0x3FFC];
	_ =	sdelay $0x3  }
0x9a: {  	_ =	strace s5  }
0x9b: {  	s5 =	sld [smem:$0x3FFD];
	_ =	sdelay $0x3  }
0x9c: {  	_ =	strace s5  }
0x9d: {  	_ =	strace $0x8FFFFFFF  }
0x9e: {  	s20 =	sld [smem:$0x3FDB];
	_ =	sdelay $0x1  }
0x9f: {  	s6 =	simm.s32 $_scs_section_size  }
0xa0: {  	s7 =	simm.s32 $_size__tile_overlayer_lowered;
	s8 =	simm.s32 $_tile_overlayer_lowered  }
0xa1: {  	s23 =	simm.s32 $0x1BFF;
	s22 =	sshll.u32 s8, $0x1;
	s5 =	sadd.s32 s6, s20  }
0xa2: {  	s9 =	simm.s32 $0x0;
	s21 =	sshll.u32 s7, $0x1;
	s7 =	sadd.s32 s22, s5  }
0xa3: {  	[timem:s9], [sflag:s23] =	dma.local [hbm:s7], s21  }
0xa4: {  	_ =	swait.ge [sflag:s23], s21  }
0xa5: {  	s6 =	ssub.s32 $0x0, s21;
	[sflag:s23] =	ssyncset.done $0x0  }
0xa6: {  	[sflag:s23] =	ssyncadd.s32 s6;
	_ =	sdelay $0x1  }
0xa7: {  	s24 =	simm.s32 $0x1B8B  }
0xa8: {  	_ =	swait.ge [sflag:s24], $0x1  }
0xa9: {  	[sflag:s24] =	ssyncset.done $0x0  }
0xaa: {  	s25 =	simm.s32 $0x1B8E;
	[sflag:s24] =	ssyncadd.s32 $0xFFFFFFFF  }
0xab: {  	s26 =	simm.s32 $execute0_lowered;
	[smem:$0x3FD2] =	sst s25  }
0xac: {  	s6 =	sshll.u32 s26, $0x1;
	_ =	strace $0x80000046;
	[dreg:$0x1] =	wrdreg $0xFFFFFFFF  }
0xad: {  	s28 =	simm.s32 $_size_execute0_lowered;
	s5 =	sadd.s32 s5, s6;
	[dreg:$0x0] =	wrdreg $0x0  }
0xae: {  	s6 =	sshll.u32 s28, $0x1;
	[dreg:$0x2] =	wrdreg s5  }
0xaf: {  	[dreg:$0x3] =	wrdreg s6  }
0xb0: {  	[dreg:$0x4] =	wrdreg $0xC0  }
0xb1: {  	_ =	task [dreg:s9], $0x5FFFF  }
0xb2: {  	[dreg:$0x1] =	wrdreg $0xFFFFFFFF  }
0xb3: {  	[dreg:$0x0] =	wrdreg $0x60  }
0xb4: {  	[dreg:$0x2] =	wrdreg s19  }
0xb5: {  	[dreg:$0x3] =	wrdreg s17  }
0xb6: {  	[dreg:$0x4] =	wrdreg s18  }
0xb7: {  	[dreg:$0x5] =	wrdreg $0x9  }
0xb8: {  	_ =	task.clear_ibuf [dreg:s9], $0x6FFFF;
	_ =	strace $0x90000046  }
0xb9: {  	s29 =	simm.s32 $0x9;
	_ =	strace $0x80000048  }
0xba: {  	_ =	swait.ge [sflag:s29], $0x1  }
0xbb: {  	[sflag:s29] =	ssyncadd.s32 $0xFFFFFFFF  }
0xbc: {  	_ =	strace $0x90000048  }
0xbd: {  	_ =	sfence  }
0xbe: {  	s30 =	sld [smem:$0x0];
	_ =	sdelay $0x2  }
0xbf: {  	s31 =	sshll.u32 s1, $0xD;
	s1 =	sshrl.u32 s1, $0x2  }
0xc0: {  	s3 =	sand.u32 $0x4000, s31;
	s1 =	sadd.s32 s1, s30  }
0xc1: {  	s0 =	sor.u32 s3, s0;
	s1 =	sshll.u32 s1, $0x11  }
0xc2: {  	s0 =	sor.u32 s1, s0  }
0xc3: {  	s0 =	sadd.s32 $0x8F2B, s0  }
0xc4: {  	[sflag:s0] =	ssyncadd.remote.s32 $0x1  }
0xc5: {  	_ =	sfence.sel $0xFFFF  }
0xc6: {  	[dreg:$0x0] =	wrdreg $0xFFFFFFFF;
	(pc) =	sbr.abs _section_cstart, $3  }
0xc7: {  	[dreg:$0x1] =	wrdreg $0xFFFFFFFF  }
0xc8: {  	_ =	task.clear_ibuf [dreg:s9], $0x2FFFF;
	_ =	strace $0x9FFFFFFF  }
0xc9: {  	(tm) =	ssettm $0x7FFFFFFF  }
tec
execute0_lowered:
.L_overlay_start_1:
0x0: {  	(tag) =	ssettag $0x1  }
0x1: {  	s3 =	rddreg [dreg:$0x0]  }
0x2: {  	s4 =	rddreg [dreg:$0x1]  }
0x3: {  	s5 =	rddreg [dreg:$0x2];
	s2 =	srdreg.scid  }
0x4: {  	s0 =	rddreg [dreg:$0x3];
	s1 =	stileid.u32;
	s10 =	simm.s32 $0x0  }
0x5: {  	s6 =	sand.u32 $0x1, s2;
	s2 =	simm.s32 $0x0;
	s7 =	sshll.u32 s1, $0xB  }
0x6: {  	s8 =	sshll.u32 s6, $0xA;
	[smem:$0x7FF] =	sst s2;
	s6 =	ssub.s32 $0x2, s6  }
0x7: {  	s7 =	sor.u32 s8, s7;
	_ =	strace $0x80000047;
	s31 =	sshrl.u32 s6, $0x1  }
0x8: {  	s8 =	simm.s32 $0x2000;
	s9 =	sshrl.u32 s7, $0x2;
	s6 =	ssub.s32 s6, s31  }
0x9: {  	s3 =	sadd.s32 s3, s7;
	s7 =	simm.s32 $0x1;
	s4 =	sadd.s32 s4, s9  }
0xa: {  	v0 =	vimm.s32 $0x8;
	v1 =	vimm.s32 $0x0;
	s5 =	sadd.s32 s5, s9;
	s6 =	smax.u32 s6, $0x1;
	s9 =	simm.s32 $0x2800  }
.LBB2_1:
0xb: {  	[tilespmem:s2], [sflag:$0x1] =	stream.linear.gather [hbm4b:s3+s2], $0x2000, $0x38;
	[tilespmem:$0x3000] =	vst v63  }
0xc: {  	s12 =	simm.s32 $0x0;
	_ =	swait.ge [sflag:s7], $0x2000  }
0xd: {  	s11 =	sand.u32 $0x70, s2;
	s12 =	sand.u32 $0x3FFFFC00, s12;
	[sflag:s7] =	ssyncset.done $0x0  }
0xe: {  	s12 =	sor.u32 s11, s12;
	[sflag:s7] =	ssyncadd.s32 $0xFFFFE000  }
0xf: {  	v2 =	vld [tilespmem:s12+$0x80];
	_ =	sdelay $0x1  }
0x10: {  	v3 =	vld [tilespmem:s12+$0x0];
	_ =	sdelay $0x1  }
0x11: {  	v4 =	vld [tilespmem:s12+$0x100]  }
0x12: {  	vm0 =	vlt.f32 v2, $-Inf;
	vm1 =	vgt.f32 v2, $-Inf  }
0x13: {  	vm1 =	vmor vm1, vm0  }
0x14: {  	v6 =	vld [tilespmem:s12+$0x180];
	vm0 =	vgt.f32 v2, v3;
	v5 =	vnsel vm1, $0xFF800000, v2  }
0x15: {  	v5 =	vsel vm0, v3, v5  }
0x16: {  	v2 =	vsel vm0, v2, v3;
	vm4 =	vgt.f32 v4, v5  }
0x17: {  	v57 =	vld [tilespmem:s12+$0x200];
	vm2 =	vgt.f32 v4, v2;
	v3 =	vsel vm4, v4, v5  }
0x18: {  	v3 =	vsel vm2, v2, v3  }
0x19: {  	v2 =	vsel vm2, v4, v2;
	vm5 =	vgt.f32 v6, v3  }
0x1a: {  	v58 =	vld [tilespmem:s12+$0x280];
	vm3 =	vgt.f32 v6, v2;
	v3 =	vsel vm5, v6, v3  }
0x1b: {  	v3 =	vsel vm3, v2, v3  }
0x1c: {  	v2 =	vsel vm3, v6, v2;
	vm7 =	vgt.f32 v57, v3  }
0x1d: {  	v59 =	vld [tilespmem:s12+$0x300];
	vm6 =	vgt.f32 v57, v2;
	v3 =	vsel vm7, v57, v3  }
0x1e: {  	v3 =	vsel vm6, v2, v3  }
0x1f: {  	v2 =	vsel vm6, v57, v2;
	vm9 =	vgt.f32 v58, v3  }
0x20: {  	v60 =	vld [tilespmem:s12+$0x380];
	vm8 =	vgt.f32 v58, v2;
	v3 =	vsel vm9, v58, v3  }
0x21: {  	v3 =	vsel vm8, v2, v3  }
0x22: {  	v2 =	vsel vm8, v58, v2;
	vm12 =	vgt.f32 v59, v3  }
0x23: {  	vm10 =	vgt.f32 v59, v2;
	v3 =	vsel vm12, v59, v3  }
0x24: {  	v3 =	vsel vm10, v2, v3  }
0x25: {  	v2 =	vsel vm10, v59, v2;
	vm13 =	vgt.f32 v60, v3  }
0x26: {  	vm11 =	vgt.f32 v60, v2;
	v3 =	vsel vm13, v60, v3  }
0x27: {  	v3 =	vsel vm11, v2, v3;
	v2 =	vsel vm11, v60, v2  }
0x28: {  	v2 =	vsub.f32 v3, v2;
	_ =	sdelay $0x1  }
0x29: {  	v2 =	vmul.f32 $1.442695020e+00, v2;
	_ =	sdelay $0x1  }
0x2a: {  	(erf) = vpow2.f32 v2;
	_ =	sdelay $0x4  }
0x2b: {  	v2 =	vsel vm1, $0x1, v0  }
0x2c: {  	v2 =	vsel vm0, $0x0, v2  }
0x2d: {  	v3 =	vsel vm0, $0x1, v1;
	v2 =	vsel vm4, $0x2, v2  }
0x2e: {  	v2 =	vsel vm2, v3, v2  }
0x2f: {  	v3 =	vsel vm2, $0x2, v3;
	v2 =	vsel vm5, $0x3, v2;
	v61 =	vpop (erf)  }
0x30: {  	v2 =	vsel vm3, v3, v2;
	v62 =	vadd.f32 $1.000000000e+00, v61  }
0x31: {  	v3 =	vsel vm3, $0x3, v3;
	v2 =	vsel vm7, $0x4, v2  }
0x32: {  	v2 =	vsel vm6, v3, v2;
	(erf) = vrcp.f32 v62  }
0x33: {  	v3 =	vsel vm6, $0x4, v3;
	v2 =	vsel vm9, $0x5, v2  }
0x34: {  	v2 =	vsel vm8, v3, v2  }
0x35: {  	v3 =	vsel vm8, $0x5, v3;
	v2 =	vsel vm12, $0x6, v2  }
0x36: {  	v2 =	vsel vm10, v3, v2  }
0x37: {  	s31 =	simm.s32 $0x0;
	v63 =	vsel vm10, $0x6, v3;
	v2 =	vsel vm13, $0x7, v2  }
0x38: {  	s12 =	sand.u32 $0xFFFFFF00, s31;
	v2 =	vsel vm11, v63, v2  }
0x39: {  	s15 =	sor.u32 s11, s12;
	v3 =	vsel vm11, $0x7, v63  }
0x3a: {  	[tilespmem:s15+$0x2800] =	vst v3  }
0x3b: {  	s16 =	simm.s32 $0x80;
	s13 =	simm.s32 $0x10;
	s14 =	simm.s32 $0x2;
	[tilespmem:s15+$0x2880] =	vst v2;
	v2 =	vpop (erf)  }
0x3c: {  	s16 =	sand.u32 $0x3FFFFC00, s16;
	s11 =	simm.s32 $0x1;
	s12 =	sand.u32 $0x70, s13;
	[tilespmem:s15+$0x2000] =	vst v2;
	v2 =	vmul.f32 v2, v61  }
.LBB2_2:
0x3d: {  	p0 =	sne.s32 s14, $0x3F  }
0x3e: {  	s16 =	sor.u32 s12, s16;
	[tilespmem:s15+$0x2080] =	vst v2;
	s15 =	smov.u32 s14;
	s14 =	sadd.s32 $0x1, s14  }
0x3f: {  	v2 =	vld [tilespmem:s16+$0x80];
	_ =	sdelay $0x1  }
0x40: {  	v3 =	vld [tilespmem:s16+$0x0];
	_ =	sdelay $0x1  }
0x41: {  	v4 =	vld [tilespmem:s16+$0x100]  }
0x42: {  	vm0 =	vlt.f32 v2, $-Inf;
	vm1 =	vgt.f32 v2, $-Inf  }
0x43: {  	vm0 =	vmor vm1, vm0  }
0x44: {  	vm1 =	vgt.f32 v2, v3;
	v5 =	vnsel vm0, $0xFF800000, v2;
	v6 =	vsel vm0, $0x1, v0;
	v7 =	vld [tilespmem:s16+$0x180]  }
0x45: {  	v5 =	vsel vm1, v3, v5;
	v2 =	vsel vm1, v2, v3;
	v3 =	vsel vm1, $0x1, v1  }
0x46: {  	v6 =	vsel vm1, $0x0, v6;
	vm0 =	vgt.f32 v4, v5  }
0x47: {  	vm1 =	vgt.f32 v4, v2;
	v5 =	vsel vm0, v4, v5;
	v6 =	vsel vm0, $0x2, v6;
	v8 =	vld [tilespmem:s16+$0x200]  }
0x48: {  	v5 =	vsel vm1, v2, v5;
	v2 =	vsel vm1, v4, v2;
	v4 =	vsel vm1, $0x2, v3  }
0x49: {  	v3 =	vsel vm1, v3, v6;
	vm0 =	vgt.f32 v7, v5  }
0x4a: {  	vm1 =	vgt.f32 v7, v2;
	v5 =	vsel vm0, v7, v5;
	v3 =	vsel vm0, $0x3, v3;
	v6 =	vld [tilespmem:s16+$0x280]  }
0x4b: {  	v5 =	vsel vm1, v2, v5;
	v3 =	vsel vm1, v4, v3;
	v2 =	vsel vm1, v7, v2  }
0x4c: {  	v4 =	vsel vm1, $0x3, v4;
	vm0 =	vgt.f32 v8, v5  }
0x4d: {  	vm1 =	vgt.f32 v8, v2;
	v5 =	vsel vm0, v8, v5;
	v3 =	vsel vm0, $0x4, v3;
	v7 =	vld [tilespmem:s16+$0x300]  }
0x4e: {  	v5 =	vsel vm1, v2, v5;
	v3 =	vsel vm1, v4, v3  }
0x4f: {  	v2 =	vsel vm1, v8, v2;
	vm0 =	vgt.f32 v6, v5  }
0x50: {  	vm2 =	vgt.f32 v6, v2;
	v5 =	vsel vm0, v6, v5;
	v3 =	vsel vm0, $0x5, v3;
	v8 =	vld [tilespmem:s16+$0x380]  }
0x51: {  	v5 =	vsel vm2, v2, v5;
	v2 =	vsel vm2, v6, v2  }
0x52: {  	v4 =	vsel vm1, $0x4, v4;
	vm0 =	vgt.f32 v7, v5  }
0x53: {  	v6 =	vsel vm2, $0x5, v4;
	vm1 =	vgt.f32 v7, v2;
	v5 =	vsel vm0, v7, v5  }
0x54: {  	v3 =	vsel vm2, v4, v3;
	v4 =	vsel vm1, v2, v5;
	v5 =	vsel vm1, $0x6, v6  }
0x55: {  	v3 =	vsel vm0, $0x6, v3;
	v2 =	vsel vm1, v7, v2;
	vm0 =	vgt.f32 v8, v4  }
0x56: {  	s16 =	sshll.u32 s11, $0x5;
	s11 =	smov.u32 s15;
	v3 =	vsel vm1, v6, v3;
	vm1 =	vgt.f32 v8, v2;
	v4 =	vsel vm0, v8, v4  }
0x57: {  	s15 =	sand.u32 $0xFFFFFF00, s16;
	v3 =	vsel vm0, $0x7, v3;
	v4 =	vsel vm1, v2, v4;
	v2 =	vsel vm1, v8, v2  }
0x58: {  	s15 =	sor.u32 s12, s15;
	v3 =	vsel vm1, v5, v3;
	v5 =	vsel vm1, $0x7, v5;
	v2 =	vsub.f32 v4, v2  }
0x59: {  	[tilespmem:s15+$0x2800] =	vst v5  }
0x5a: {  	v2 =	vmul.f32 $1.442695020e+00, v2;
	[tilespmem:s15+$0x2880] =	vst v3;
	_ =	sdelay $0x1  }
0x5b: {  	(erf) = vpow2.f32 v2;
	_ =	sdelay $0x8  }
0x5c: {  	v2 =	vpop (erf)  }
0x5d: {  	v3 =	vadd.f32 $1.000000000e+00, v2;
	_ =	sdelay $0x1  }
0x5e: {  	(erf) = vrcp.f32 v3;
	_ =	sdelay $0x6  }
.Ltmp0:
0x5f: {  	(pc) =	sbr.rel @p0 .LBB2_2-.Ltmp0, $4  }
0x60: {  	_ = 	snop  }
0x61: {  	v3 =	vpop (erf)  }
0x62: {  	s13 =	sadd.s32 $0x10, s13;
	s16 =	sshll.u32 s11, $0x7;
	[tilespmem:s15+$0x2000] =	vst v3;
	v2 =	vmul.f32 v3, v2  }
0x63: {  	s12 =	sand.u32 $0x70, s13;
	s16 =	sand.u32 $0x3FFFFC00, s16  }
0x64: {  	s13 =	sor.u32 s12, s16;
	[tilespmem:s15+$0x2080] =	vst v2  }
0x65: {  	v2 =	vld [tilespmem:s13+$0x80];
	_ =	sdelay $0x1  }
0x66: {  	v3 =	vld [tilespmem:s13+$0x0];
	_ =	sdelay $0x1  }
0x67: {  	v4 =	vld [tilespmem:s13+$0x100]  }
0x68: {  	vm0 =	vlt.f32 v2, $-Inf;
	vm1 =	vgt.f32 v2, $-Inf  }
0x69: {  	vm1 =	vmor vm1, vm0  }
0x6a: {  	v6 =	vld [tilespmem:s13+$0x180];
	vm0 =	vgt.f32 v2, v3;
	v5 =	vnsel vm1, $0xFF800000, v2  }
0x6b: {  	v5 =	vsel vm0, v3, v5  }
0x6c: {  	v2 =	vsel vm0, v2, v3;
	vm3 =	vgt.f32 v4, v5  }
0x6d: {  	v55 =	vld [tilespmem:s13+$0x200];
	vm2 =	vgt.f32 v4, v2;
	v3 =	vsel vm3, v4, v5  }
0x6e: {  	v3 =	vsel vm2, v2, v3  }
0x6f: {  	v2 =	vsel vm2, v4, v2;
	vm5 =	vgt.f32 v6, v3  }
0x70: {  	v56 =	vld [tilespmem:s13+$0x280];
	vm4 =	vgt.f32 v6, v2;
	v3 =	vsel vm5, v6, v3  }
0x71: {  	v3 =	vsel vm4, v2, v3  }
0x72: {  	v2 =	vsel vm4, v6, v2;
	vm7 =	vgt.f32 v55, v3  }
0x73: {  	v57 =	vld [tilespmem:s13+$0x300];
	vm6 =	vgt.f32 v55, v2;
	v3 =	vsel vm7, v55, v3  }
0x74: {  	v3 =	vsel vm6, v2, v3  }
0x75: {  	v2 =	vsel vm6, v55, v2;
	vm9 =	vgt.f32 v56, v3  }
0x76: {  	v58 =	vld [tilespmem:s13+$0x380];
	vm8 =	vgt.f32 v56, v2;
	v3 =	vsel vm9, v56, v3  }
0x77: {  	v3 =	vsel vm8, v2, v3  }
0x78: {  	v2 =	vsel vm8, v56, v2;
	vm12 =	vgt.f32 v57, v3  }
0x79: {  	vm10 =	vgt.f32 v57, v2;
	v3 =	vsel vm12, v57, v3  }
0x7a: {  	v3 =	vsel vm10, v2, v3  }
0x7b: {  	v2 =	vsel vm10, v57, v2;
	vm13 =	vgt.f32 v58, v3  }
0x7c: {  	vm11 =	vgt.f32 v58, v2;
	v3 =	vsel vm13, v58, v3  }
0x7d: {  	v3 =	vsel vm11, v2, v3;
	v2 =	vsel vm11, v58, v2  }
0x7e: {  	v2 =	vsub.f32 v3, v2;
	_ =	sdelay $0x1  }
0x7f: {  	v2 =	vmul.f32 $1.442695020e+00, v2;
	_ =	sdelay $0x1  }
0x80: {  	(erf) = vpow2.f32 v2;
	_ =	sdelay $0x7  }
0x81: {  	v2 =	vsel vm1, $0x1, v0  }
0x82: {  	v2 =	vsel vm0, $0x0, v2;
	v3 =	vpop (erf)  }
0x83: {  	v59 =	vsel vm0, $0x1, v1;
	v2 =	vsel vm3, $0x2, v2;
	v60 =	vadd.f32 $1.000000000e+00, v3  }
0x84: {  	v2 =	vsel vm2, v59, v2  }
0x85: {  	v4 =	vsel vm2, $0x2, v59;
	v2 =	vsel vm5, $0x3, v2;
	(erf) = vrcp.f32 v60  }
0x86: {  	v2 =	vsel vm4, v4, v2  }
0x87: {  	v4 =	vsel vm4, $0x3, v4;
	v2 =	vsel vm7, $0x4, v2  }
0x88: {  	v2 =	vsel vm6, v4, v2  }
0x89: {  	v4 =	vsel vm6, $0x4, v4;
	v2 =	vsel vm9, $0x5, v2  }
0x8a: {  	v2 =	vsel vm8, v4, v2  }
0x8b: {  	s11 =	sshll.u32 s11, $0x5;
	v4 =	vsel vm8, $0x5, v4;
	v2 =	vsel vm12, $0x6, v2  }
0x8c: {  	s11 =	sand.u32 $0xFFFFFF00, s11;
	v61 =	vsel vm10, $0x6, v4;
	v2 =	vsel vm10, v4, v2  }
0x8d: {  	s11 =	sor.u32 s12, s11;
	v62 =	vsel vm11, $0x7, v61;
	v2 =	vsel vm13, $0x7, v2  }
0x8e: {  	[tilespmem:s11+$0x2800] =	vst v62;
	v2 =	vsel vm11, v61, v2;
	v63 =	vpop (erf)  }
0x8f: {  	[tilespmem:s11+$0x2880] =	vst v2;
	v2 =	vmul.f32 v63, v3  }
0x90: {  	[tilespmem:s11+$0x2000] =	vst v63  }
0x91: {  	[tilespmem:s11+$0x2080] =	vst v2  }
0x92: {  	[hbm4b:s4+s2] =	stream.linear.scatter [tilespmem:s8], [sflag:$0x1], $0x800, $0x38;
	[tilespmem:$0x3000] =	vst v63  }
0x93: {  	s10 =	sadd.s32 $0x1, s10;
	_ =	swait.ge [sflag:s7], $0x800  }
0x94: {  	p0 =	sne.s32 s10, s6;
	[sflag:s7] =	ssyncset.done $0x0  }
.Ltmp1:
0x95: {  	[sflag:s7] =	ssyncadd.s32 $0xFFFFF800;
	(pc) =	sbr.rel @p0 .LBB2_1-.Ltmp1, $4  }
0x96: {  	[hbm4b:s5+s2] =	stream.linear.scatter [tilespmem:s9], [sflag:$0x1], $0x800, $0x38;
	[tilespmem:$0x3000] =	vst v63  }
0x97: {  	_ =	swait.ge [sflag:s7], $0x800  }
0x98: {  	[sflag:s7] =	ssyncset.done $0x0  }
0x99: {  	[sflag:s7] =	ssyncadd.s32 $0xFFFFF800  }
0x9a: {  	_ =	sfence.sel $0x180000  }
0x9b: {  	[bflag:$0x0] =	sbarrier.arrive $0xFFFF  }
0x9c: {  	p0 =	sne.s32 s1, $0x0;
	_ =	strace $0x90000047  }
0x9d: {  	s0 =	sadd.s32 @!p0 $0x100000, s0;
	[bflag:$0x2] =	sbarrier.arrive $0xFFFF  }
0x9e: {  	[sflag:s0] =	ssyncadd.tile.s32 @!p0 $0x1;
	_ =	shalt  }
.Lfunc_end2:
_tile_overlayer_lowered:
.L_overlay_start_2:
0x9f: {  	(tag) =	ssettag $0x2  }
0xa0: {  	s0 =	rddreg [dreg:$0x0];
	s2 =	stileid.u32  }
0xa1: {  	s1 =	rddreg [dreg:$0x1];
	p0 =	sne.s32 s2, $0x0  }
0xa2: {  	s3 =	rddreg [dreg:$0x2];
	[bflag:$0x3] =	sbarrier.arrive $0xFFFF;
	s2 =	simm.s32 @!p0 $0x1C01  }
0xa3: {  	[timem:s3], [sflag:s2] =	dma.local @!p0 [hbm:s0], s1  }
0xa4: {  	s0 =	simm.s32 @!p0 $0x1  }
0xa5: {  	_ =	swait.ge @!p0 [sflag:s0], s1  }
0xa6: {  	s1 =	ssub.s32 @!p0 $0x0, s1;
	[sflag:s0] =	ssyncset.done @!p0 $0x0  }
0xa7: {  	[sflag:s0] =	ssyncadd.s32 @!p0 s1  }
0xa8: {  	[bflag:$0x3] =	sbarrier.arrive $0xFFFF  }
0xa9: {  	_ =	shalt  }

</sc_bundles>
